<compile_context>
chip_gen: v7x
topology: tpu7x:2x2x1
jax: 0.10.2.dev20260603
libtpu: 0.0.44.dev20260713+nightly
codegen_flags: <defaults>
</compile_context>

<pallas_src>
import functools

import jax
import jax.numpy as jnp
from jax import lax
from jax.experimental import pallas as pl
from jax.experimental.pallas import tpu as pltpu
from jax.experimental.pallas import tpu_sc as plsc

B, N, D, E, K = 2, 2048, 768, 8, 2
NC, NS = 2, 16
NW = NC * NS
NIDX = 8192
BPW = NIDX // NW
CH = 64
D2 = D // 2

_mesh = plsc.VectorSubcoreMesh(core_axis_name="c", subcore_axis_name="s")


def _sc_gather(table, idx):
    @functools.partial(
        pl.kernel,
        out_type=jax.ShapeDtypeStruct((NIDX, D2), jnp.int32),
        mesh=_mesh,
        scratch_types=[
            pltpu.VMEM((BPW,), jnp.int32),
            pltpu.VMEM((CH, D2), jnp.int32),
            pltpu.VMEM((CH, D2), jnp.int32),
            pltpu.SemaphoreType.DMA,
            pltpu.SemaphoreType.DMA,
        ],
    )
    def k(table_hbm, idx_hbm, out_hbm, idx_v, buf0, buf1, sem0, sem1):
        wid = lax.axis_index("s") * NC + lax.axis_index("c")
        base = wid * BPW
        pltpu.sync_copy(idx_hbm.at[pl.ds(base, BPW)], idx_v)
        bufs = (buf0, buf1)
        sems = (sem0, sem1)
        nch = BPW // CH
        cps = []
        cps.append(
            pltpu.async_copy(table_hbm.at[idx_v.at[pl.ds(0, CH)]], bufs[0], sems[0])
        )
        for c in range(nch):
            if c + 1 < nch:
                cps.append(
                    pltpu.async_copy(
                        table_hbm.at[idx_v.at[pl.ds((c + 1) * CH, CH)]],
                        bufs[(c + 1) % 2],
                        sems[(c + 1) % 2],
                    )
                )
            cps[c].wait()
            pltpu.sync_copy(bufs[c % 2], out_hbm.at[pl.ds(base + c * CH, CH)])

    return k(table, idx)


def kernel(x, gate_w, w1, b1, w2, b2):
    xf = x.reshape(B * N, D).astype(jnp.bfloat16)
    xi = jax.lax.bitcast_convert_type(xf.reshape(B * N, D2, 2), jnp.int32)
    i = jnp.arange(NIDX, dtype=jnp.uint32)
    idx = ((i * jnp.uint32(2654435761)) % jnp.uint32(B * N)).astype(jnp.int32)
    g = _sc_gather(xi, idx)
    gb = jax.lax.bitcast_convert_type(g, jnp.bfloat16).reshape(NIDX, D)
    return gb[: B * N].astype(jnp.float32).reshape(B, N, D)

# --- scband reference (transcript-rebuilt; emitter-appended) ---
"""Pipeline reference for scband-moe-layer-37984690765955 (READ-ONLY COPY).

The authoritative reference and input builder live on the scoring server;
editing this copy changes nothing except your own understanding.
"""

import jax, jax.numpy as jnp
import numpy as np

B, N, D, E, K = 2, 2048, 768, 8, 2

def setup_inputs(seed: int = 0) -> dict:
    key = jax.random.key(seed)
    k0, k1, k2, k3 = jax.random.split(key, 4)
    x = jax.random.normal(k0, (B, N, D), dtype=jnp.float32)
    # gate: nn.Linear(in_embed_dim, num_of_experts, bias=False); stored as (in, E) for x @ W
    gate_w = jax.random.normal(k1, (D, E), dtype=jnp.float32) * 0.02
    # experts: E x Sequential(Linear(D, D), GELU, Linear(D, D)); init normal(0, 0.02), bias 0
    w1 = jax.random.normal(k2, (E, D, D), dtype=jnp.float32) * 0.02
    b1 = jnp.zeros((E, D), dtype=jnp.float32)
    w2 = jax.random.normal(k3, (E, D, D), dtype=jnp.float32) * 0.02
    b2 = jnp.zeros((E, D), dtype=jnp.float32)
    return {"x": x, "gate_w": gate_w, "w1": w1, "b1": b1, "w2": w2, "b2": b2}

def reference(x, gate_w, w1, b1, w2, b2):
    # Router
    gate_logits = jnp.einsum('bnd,de->bne', x, gate_w)
    gate_softmax = jax.nn.softmax(gate_logits, axis=-1)
    # torch.topk(gate_softmax, num_selected): weights are (unnormalized) softmax probs of selected experts
    weights, selected_experts = jax.lax.top_k(gate_softmax, K)  # [B,N,K]
    # Dense equivalent of per-expert dispatch in compute_moe: run every expert on every
    # token, then gather only the selected outputs. Mathematically identical to the
    # torch.where-based routing loop.
    h = jnp.einsum('bnd,edf->bnef', x, w1) + b1[None, None, :, :]
    h = jax.nn.gelu(h, approximate=False)  # torch nn.GELU() default is exact erf GELU
    expert_out = jnp.einsum('bnef,efg->bneg', h, w2) + b2[None, None, :, :]  # [B,N,E,D]
    idx = jnp.broadcast_to(selected_experts[..., None], (B, N, K, D))
    out_sel = jnp.take_along_axis(expert_out, idx, axis=2)  # [B,N,K,D]
    results = jnp.sum(weights[..., None] * out_sel, axis=2)  # [B,N,D]
    return results

if __name__ == "__main__":
    import jax
    _d = setup_inputs()
    print(jax.jit(kernel)(*tuple(_d.values())))

</pallas_src>

<mosaic_0001>
#map = affine_map<(d0, d1) -> (0, 0)>
#map1 = affine_map<(d0, d1) -> (0)>
module attributes {stable_mosaic.version = 14 : i64} {
  func.func @k(%arg0: i32, %arg1: i32, %arg2: memref<4096x384xi32, #tpu.memory_space<hbm>>, %arg3: memref<8192xi32, #tpu.memory_space<hbm>>, %arg4: memref<8192x384xi32, #tpu.memory_space<hbm>>, %arg5: memref<256xi32, #tpu.memory_space<vmem>>, %arg6: memref<64x384xi32, #tpu.memory_space<vmem>>, %arg7: memref<64x384xi32, #tpu.memory_space<vmem>>, %arg8: memref<!tpu.dma_semaphore, #tpu.memory_space<semaphore_mem>>, %arg9: memref<!tpu.dma_semaphore, #tpu.memory_space<semaphore_mem>>) attributes {dimension_semantics = [#tpu.dimension_semantics<core_parallel>, #tpu.dimension_semantics<subcore_parallel>], iteration_bounds = array<i64: 2, 16>, scalar_prefetch = 0 : i64, scratch_operands = 5 : i64, tpu.core_type = #tpu.core_type<sc_vector_subcore>, window_params = [{transform_indices = #map}, {transform_indices = #map1}, {transform_indices = #map}]} {
    %mul3A = arith.constant 2 : i32
    %mul3A_0 = arith.muli %arg1, %mul3A : i32
    %add3A = arith.addi %mul3A_0, %arg0 : i32
    %mul3A_1 = arith.constant 256 : i32
    %mul3A_2 = arith.muli %add3A, %mul3A_1 : i32
    "tpu.region"() ({
      %run_scoped3A = tpu.sem_alloc : memref<!tpu.dma_semaphore, #tpu.memory_space<semaphore_mem>>
      %dma_start3A_49 = tpu.memref_slice %arg3[%mul3A_2] : memref<8192xi32, #tpu.memory_space<hbm>> -> memref<256xi32, #tpu.memory_space<hbm>>
      %dma_start3A_50 = tpu.memref_slice %arg3[%mul3A_2] : memref<8192xi32, #tpu.memory_space<hbm>> -> memref<256xi32, #tpu.memory_space<hbm>>
      tpu.enqueue_dma source(%dma_start3A_50 : memref<256xi32, #tpu.memory_space<hbm>>) target(%arg5 : memref<256xi32, #tpu.memory_space<vmem>>) target_semaphore(%run_scoped3A : memref<!tpu.dma_semaphore, #tpu.memory_space<semaphore_mem>>)
      %dma_wait3A_51 = tpu.memref_slice %arg3[%mul3A_2] : memref<8192xi32, #tpu.memory_space<hbm>> -> memref<256xi32, #tpu.memory_space<hbm>>
      %dma_wait3A_52 = tpu.memref_slice %arg3[%mul3A_2] : memref<8192xi32, #tpu.memory_space<hbm>> -> memref<256xi32, #tpu.memory_space<hbm>>
      tpu.wait_dma2 semaphore(%run_scoped3A : memref<!tpu.dma_semaphore, #tpu.memory_space<semaphore_mem>>) src(%dma_wait3A_52 : memref<256xi32, #tpu.memory_space<hbm>>) dst(%arg5 : memref<256xi32, #tpu.memory_space<vmem>>)
      tpu.yield
    }) : () -> ()
    %dma_start3A = arith.constant 0 : i32
    %dma_start3A_3 = tpu.memref_slice %arg5[%dma_start3A] : memref<256xi32, #tpu.memory_space<vmem>> -> memref<64xi32, #tpu.memory_space<vmem>>
    %dma_start3A_4 = arith.constant 0 : i32
    %dma_start3A_5 = arith.constant 0 : i32
    %dma_start3A_6 = tpu.memref_slice %arg2[%dma_start3A_4, %dma_start3A_5] : memref<4096x384xi32, #tpu.memory_space<hbm>> -> memref<4096x384xi32, #tpu.memory_space<hbm>>
    tpu.enqueue_indirect_dma source(%dma_start3A_6 : memref<4096x384xi32, #tpu.memory_space<hbm>>) target(%arg6 : memref<64x384xi32, #tpu.memory_space<vmem>>) offsets(%dma_start3A_3 : memref<64xi32, #tpu.memory_space<vmem>>) semaphore(%arg8 : memref<!tpu.dma_semaphore, #tpu.memory_space<semaphore_mem>>)
    %dma_start3A_7 = arith.constant 64 : i32
    %dma_start3A_8 = tpu.memref_slice %arg5[%dma_start3A_7] : memref<256xi32, #tpu.memory_space<vmem>> -> memref<64xi32, #tpu.memory_space<vmem>>
    %dma_start3A_9 = arith.constant 0 : i32
    %dma_start3A_10 = arith.constant 0 : i32
    %dma_start3A_11 = tpu.memref_slice %arg2[%dma_start3A_9, %dma_start3A_10] : memref<4096x384xi32, #tpu.memory_space<hbm>> -> memref<4096x384xi32, #tpu.memory_space<hbm>>
    tpu.enqueue_indirect_dma source(%dma_start3A_11 : memref<4096x384xi32, #tpu.memory_space<hbm>>) target(%arg7 : memref<64x384xi32, #tpu.memory_space<vmem>>) offsets(%dma_start3A_8 : memref<64xi32, #tpu.memory_space<vmem>>) semaphore(%arg9 : memref<!tpu.dma_semaphore, #tpu.memory_space<semaphore_mem>>)
    %dma_wait3A = arith.constant 0 : i32
    %dma_wait3A_12 = tpu.memref_slice %arg5[%dma_wait3A] : memref<256xi32, #tpu.memory_space<vmem>> -> memref<64xi32, #tpu.memory_space<vmem>>
    %dma_wait3A_13 = arith.constant 0 : i32
    %dma_wait3A_14 = arith.constant 0 : i32
    %dma_wait3A_15 = tpu.memref_slice %arg2[%dma_wait3A_13, %dma_wait3A_14] : memref<4096x384xi32, #tpu.memory_space<hbm>> -> memref<4096x384xi32, #tpu.memory_space<hbm>>
    tpu.wait_indirect_dma semaphore(%arg8 : memref<!tpu.dma_semaphore, #tpu.memory_space<semaphore_mem>>) src(%dma_wait3A_15 : memref<4096x384xi32, #tpu.memory_space<hbm>>) dst(%arg6 : memref<64x384xi32, #tpu.memory_space<vmem>>)
    %add3A_16 = arith.constant 0 : i32
    %add3A_17 = arith.addi %mul3A_2, %add3A_16 : i32
    "tpu.region"() ({
      %run_scoped3A = tpu.sem_alloc : memref<!tpu.dma_semaphore, #tpu.memory_space<semaphore_mem>>
      %dma_start3A_49 = arith.constant 0 : i32
      %dma_start3A_50 = tpu.memref_slice %arg4[%add3A_17, %dma_start3A_49] : memref<8192x384xi32, #tpu.memory_space<hbm>> -> memref<64x384xi32, #tpu.memory_space<hbm>>
      %dma_start3A_51 = arith.constant 0 : i32
      %dma_start3A_52 = tpu.memref_slice %arg4[%add3A_17, %dma_start3A_51] : memref<8192x384xi32, #tpu.memory_space<hbm>> -> memref<64x384xi32, #tpu.memory_space<hbm>>
      tpu.enqueue_dma source(%arg6 : memref<64x384xi32, #tpu.memory_space<vmem>>) target(%dma_start3A_52 : memref<64x384xi32, #tpu.memory_space<hbm>>) target_semaphore(%run_scoped3A : memref<!tpu.dma_semaphore, #tpu.memory_space<semaphore_mem>>)
      %dma_wait3A_53 = arith.constant 0 : i32
      %dma_wait3A_54 = tpu.memref_slice %arg4[%add3A_17, %dma_wait3A_53] : memref<8192x384xi32, #tpu.memory_space<hbm>> -> memref<64x384xi32, #tpu.memory_space<hbm>>
      %dma_wait3A_55 = arith.constant 0 : i32
      %dma_wait3A_56 = tpu.memref_slice %arg4[%add3A_17, %dma_wait3A_55] : memref<8192x384xi32, #tpu.memory_space<hbm>> -> memref<64x384xi32, #tpu.memory_space<hbm>>
      tpu.wait_dma2 semaphore(%run_scoped3A : memref<!tpu.dma_semaphore, #tpu.memory_space<semaphore_mem>>) src(%arg6 : memref<64x384xi32, #tpu.memory_space<vmem>>) dst(%dma_wait3A_56 : memref<64x384xi32, #tpu.memory_space<hbm>>)
      tpu.yield
    }) : () -> ()
    %dma_start3A_18 = arith.constant 128 : i32
    %dma_start3A_19 = tpu.memref_slice %arg5[%dma_start3A_18] : memref<256xi32, #tpu.memory_space<vmem>> -> memref<64xi32, #tpu.memory_space<vmem>>
    %dma_start3A_20 = arith.constant 0 : i32
    %dma_start3A_21 = arith.constant 0 : i32
    %dma_start3A_22 = tpu.memref_slice %arg2[%dma_start3A_20, %dma_start3A_21] : memref<4096x384xi32, #tpu.memory_space<hbm>> -> memref<4096x384xi32, #tpu.memory_space<hbm>>
    tpu.enqueue_indirect_dma source(%dma_start3A_22 : memref<4096x384xi32, #tpu.memory_space<hbm>>) target(%arg6 : memref<64x384xi32, #tpu.memory_space<vmem>>) offsets(%dma_start3A_19 : memref<64xi32, #tpu.memory_space<vmem>>) semaphore(%arg8 : memref<!tpu.dma_semaphore, #tpu.memory_space<semaphore_mem>>)
    %dma_wait3A_23 = arith.constant 64 : i32
    %dma_wait3A_24 = tpu.memref_slice %arg5[%dma_wait3A_23] : memref<256xi32, #tpu.memory_space<vmem>> -> memref<64xi32, #tpu.memory_space<vmem>>
    %dma_wait3A_25 = arith.constant 0 : i32
    %dma_wait3A_26 = arith.constant 0 : i32
    %dma_wait3A_27 = tpu.memref_slice %arg2[%dma_wait3A_25, %dma_wait3A_26] : memref<4096x384xi32, #tpu.memory_space<hbm>> -> memref<4096x384xi32, #tpu.memory_space<hbm>>
    tpu.wait_indirect_dma semaphore(%arg9 : memref<!tpu.dma_semaphore, #tpu.memory_space<semaphore_mem>>) src(%dma_wait3A_27 : memref<4096x384xi32, #tpu.memory_space<hbm>>) dst(%arg7 : memref<64x384xi32, #tpu.memory_space<vmem>>)
    %add3A_28 = arith.constant 64 : i32
    %add3A_29 = arith.addi %mul3A_2, %add3A_28 : i32
    "tpu.region"() ({
      %run_scoped3A = tpu.sem_alloc : memref<!tpu.dma_semaphore, #tpu.memory_space<semaphore_mem>>
      %dma_start3A_49 = arith.constant 0 : i32
      %dma_start3A_50 = tpu.memref_slice %arg4[%add3A_29, %dma_start3A_49] : memref<8192x384xi32, #tpu.memory_space<hbm>> -> memref<64x384xi32, #tpu.memory_space<hbm>>
      %dma_start3A_51 = arith.constant 0 : i32
      %dma_start3A_52 = tpu.memref_slice %arg4[%add3A_29, %dma_start3A_51] : memref<8192x384xi32, #tpu.memory_space<hbm>> -> memref<64x384xi32, #tpu.memory_space<hbm>>
      tpu.enqueue_dma source(%arg7 : memref<64x384xi32, #tpu.memory_space<vmem>>) target(%dma_start3A_52 : memref<64x384xi32, #tpu.memory_space<hbm>>) target_semaphore(%run_scoped3A : memref<!tpu.dma_semaphore, #tpu.memory_space<semaphore_mem>>)
      %dma_wait3A_53 = arith.constant 0 : i32
      %dma_wait3A_54 = tpu.memref_slice %arg4[%add3A_29, %dma_wait3A_53] : memref<8192x384xi32, #tpu.memory_space<hbm>> -> memref<64x384xi32, #tpu.memory_space<hbm>>
      %dma_wait3A_55 = arith.constant 0 : i32
      %dma_wait3A_56 = tpu.memref_slice %arg4[%add3A_29, %dma_wait3A_55] : memref<8192x384xi32, #tpu.memory_space<hbm>> -> memref<64x384xi32, #tpu.memory_space<hbm>>
      tpu.wait_dma2 semaphore(%run_scoped3A : memref<!tpu.dma_semaphore, #tpu.memory_space<semaphore_mem>>) src(%arg7 : memref<64x384xi32, #tpu.memory_space<vmem>>) dst(%dma_wait3A_56 : memref<64x384xi32, #tpu.memory_space<hbm>>)
      tpu.yield
    }) : () -> ()
    %dma_start3A_30 = arith.constant 192 : i32
    %dma_start3A_31 = tpu.memref_slice %arg5[%dma_start3A_30] : memref<256xi32, #tpu.memory_space<vmem>> -> memref<64xi32, #tpu.memory_space<vmem>>
    %dma_start3A_32 = arith.constant 0 : i32
    %dma_start3A_33 = arith.constant 0 : i32
    %dma_start3A_34 = tpu.memref_slice %arg2[%dma_start3A_32, %dma_start3A_33] : memref<4096x384xi32, #tpu.memory_space<hbm>> -> memref<4096x384xi32, #tpu.memory_space<hbm>>
    tpu.enqueue_indirect_dma source(%dma_start3A_34 : memref<4096x384xi32, #tpu.memory_space<hbm>>) target(%arg7 : memref<64x384xi32, #tpu.memory_space<vmem>>) offsets(%dma_start3A_31 : memref<64xi32, #tpu.memory_space<vmem>>) semaphore(%arg9 : memref<!tpu.dma_semaphore, #tpu.memory_space<semaphore_mem>>)
    %dma_wait3A_35 = arith.constant 128 : i32
    %dma_wait3A_36 = tpu.memref_slice %arg5[%dma_wait3A_35] : memref<256xi32, #tpu.memory_space<vmem>> -> memref<64xi32, #tpu.memory_space<vmem>>
    %dma_wait3A_37 = arith.constant 0 : i32
    %dma_wait3A_38 = arith.constant 0 : i32
    %dma_wait3A_39 = tpu.memref_slice %arg2[%dma_wait3A_37, %dma_wait3A_38] : memref<4096x384xi32, #tpu.memory_space<hbm>> -> memref<4096x384xi32, #tpu.memory_space<hbm>>
    tpu.wait_indirect_dma semaphore(%arg8 : memref<!tpu.dma_semaphore, #tpu.memory_space<semaphore_mem>>) src(%dma_wait3A_39 : memref<4096x384xi32, #tpu.memory_space<hbm>>) dst(%arg6 : memref<64x384xi32, #tpu.memory_space<vmem>>)
    %add3A_40 = arith.constant 128 : i32
    %add3A_41 = arith.addi %mul3A_2, %add3A_40 : i32
    "tpu.region"() ({
      %run_scoped3A = tpu.sem_alloc : memref<!tpu.dma_semaphore, #tpu.memory_space<semaphore_mem>>
      %dma_start3A_49 = arith.constant 0 : i32
      %dma_start3A_50 = tpu.memref_slice %arg4[%add3A_41, %dma_start3A_49] : memref<8192x384xi32, #tpu.memory_space<hbm>> -> memref<64x384xi32, #tpu.memory_space<hbm>>
      %dma_start3A_51 = arith.constant 0 : i32
      %dma_start3A_52 = tpu.memref_slice %arg4[%add3A_41, %dma_start3A_51] : memref<8192x384xi32, #tpu.memory_space<hbm>> -> memref<64x384xi32, #tpu.memory_space<hbm>>
      tpu.enqueue_dma source(%arg6 : memref<64x384xi32, #tpu.memory_space<vmem>>) target(%dma_start3A_52 : memref<64x384xi32, #tpu.memory_space<hbm>>) target_semaphore(%run_scoped3A : memref<!tpu.dma_semaphore, #tpu.memory_space<semaphore_mem>>)
      %dma_wait3A_53 = arith.constant 0 : i32
      %dma_wait3A_54 = tpu.memref_slice %arg4[%add3A_41, %dma_wait3A_53] : memref<8192x384xi32, #tpu.memory_space<hbm>> -> memref<64x384xi32, #tpu.memory_space<hbm>>
      %dma_wait3A_55 = arith.constant 0 : i32
      %dma_wait3A_56 = tpu.memref_slice %arg4[%add3A_41, %dma_wait3A_55] : memref<8192x384xi32, #tpu.memory_space<hbm>> -> memref<64x384xi32, #tpu.memory_space<hbm>>
      tpu.wait_dma2 semaphore(%run_scoped3A : memref<!tpu.dma_semaphore, #tpu.memory_space<semaphore_mem>>) src(%arg6 : memref<64x384xi32, #tpu.memory_space<vmem>>) dst(%dma_wait3A_56 : memref<64x384xi32, #tpu.memory_space<hbm>>)
      tpu.yield
    }) : () -> ()
    %dma_wait3A_42 = arith.constant 192 : i32
    %dma_wait3A_43 = tpu.memref_slice %arg5[%dma_wait3A_42] : memref<256xi32, #tpu.memory_space<vmem>> -> memref<64xi32, #tpu.memory_space<vmem>>
    %dma_wait3A_44 = arith.constant 0 : i32
    %dma_wait3A_45 = arith.constant 0 : i32
    %dma_wait3A_46 = tpu.memref_slice %arg2[%dma_wait3A_44, %dma_wait3A_45] : memref<4096x384xi32, #tpu.memory_space<hbm>> -> memref<4096x384xi32, #tpu.memory_space<hbm>>
    tpu.wait_indirect_dma semaphore(%arg9 : memref<!tpu.dma_semaphore, #tpu.memory_space<semaphore_mem>>) src(%dma_wait3A_46 : memref<4096x384xi32, #tpu.memory_space<hbm>>) dst(%arg7 : memref<64x384xi32, #tpu.memory_space<vmem>>)
    %add3A_47 = arith.constant 192 : i32
    %add3A_48 = arith.addi %mul3A_2, %add3A_47 : i32
    "tpu.region"() ({
      %run_scoped3A = tpu.sem_alloc : memref<!tpu.dma_semaphore, #tpu.memory_space<semaphore_mem>>
      %dma_start3A_49 = arith.constant 0 : i32
      %dma_start3A_50 = tpu.memref_slice %arg4[%add3A_48, %dma_start3A_49] : memref<8192x384xi32, #tpu.memory_space<hbm>> -> memref<64x384xi32, #tpu.memory_space<hbm>>
      %dma_start3A_51 = arith.constant 0 : i32
      %dma_start3A_52 = tpu.memref_slice %arg4[%add3A_48, %dma_start3A_51] : memref<8192x384xi32, #tpu.memory_space<hbm>> -> memref<64x384xi32, #tpu.memory_space<hbm>>
      tpu.enqueue_dma source(%arg7 : memref<64x384xi32, #tpu.memory_space<vmem>>) target(%dma_start3A_52 : memref<64x384xi32, #tpu.memory_space<hbm>>) target_semaphore(%run_scoped3A : memref<!tpu.dma_semaphore, #tpu.memory_space<semaphore_mem>>)
      %dma_wait3A_53 = arith.constant 0 : i32
      %dma_wait3A_54 = tpu.memref_slice %arg4[%add3A_48, %dma_wait3A_53] : memref<8192x384xi32, #tpu.memory_space<hbm>> -> memref<64x384xi32, #tpu.memory_space<hbm>>
      %dma_wait3A_55 = arith.constant 0 : i32
      %dma_wait3A_56 = tpu.memref_slice %arg4[%add3A_48, %dma_wait3A_55] : memref<8192x384xi32, #tpu.memory_space<hbm>> -> memref<64x384xi32, #tpu.memory_space<hbm>>
      tpu.wait_dma2 semaphore(%run_scoped3A : memref<!tpu.dma_semaphore, #tpu.memory_space<semaphore_mem>>) src(%arg7 : memref<64x384xi32, #tpu.memory_space<vmem>>) dst(%dma_wait3A_56 : memref<64x384xi32, #tpu.memory_space<hbm>>)
      tpu.yield
    }) : () -> ()
    return
  }
}

</mosaic_0001>

<sc_bundles>
// kernel: kernel.3.cloned.1.call-start
scs
__scs_entry_jumppad:
0x0: {  	(pc) =	sbr.rel $0x88, $3  }
0x1: {  	(tag) =	ssettag $0x0;
	lr =	simm.s32 $0x1  }
0x2: {  	[smem:$0x3FA0] =	sst lr;
	_ =	strace $0xD0000000  }
0x3: {  	_ = 	snop  }
0x4: {  	_ = 	snop  }
0x5: {  	_ = 	snop  }
0x6: {  	_ = 	snop  }
0x7: {  	_ = 	snop  }
__scs_overlays_trampoline_lowered:
0x8: {  	[smem:$0x3FAF] =	sst s0  }
0x9: {  	[smem:$0x3FB0] =	sst s1  }
0xa: {  	[smem:$0x3FB1] =	sst s2  }
0xb: {  	[smem:$0x3FB2] =	sst s3  }
0xc: {  	[smem:$0x3FB3] =	sst s4  }
0xd: {  	[smem:$0x3FB4] =	sst s5  }
0xe: {  	[smem:$0x3FB5] =	sst s6  }
0xf: {  	[smem:$0x3FB6] =	sst s7  }
0x10: {  	[smem:$0x3FB7] =	sst s8  }
0x11: {  	[smem:$0x3FB8] =	sst s9;
	s0 =	simm.s32 @!p0 $0x0  }
0x12: {  	s1 =	sld [smem:$0x3F9E];
	s0 =	simm.s32 @p0 $0x1  }
0x13: {  	[smem:$0x3FB9] =	sst s0;
	s0 =	simm.s32 @!p1 $0x0  }
0x14: {  	s2 =	sld [smem:$0x3F9D];
	s0 =	simm.s32 @p1 $0x1  }
0x15: {  	[smem:$0x3FBA] =	sst s0;
	s0 =	simm.s32 @!p2 $0x0  }
0x16: {  	s3 =	sld [smem:$0x3FDB];
	s0 =	simm.s32 @p2 $0x1  }
0x17: {  	s4 =	simm.s32 $0x1BF5;
	[smem:$0x3FBC] =	sst s0  }
0x18: {  	s0 =	sld [smem:$0x3F9F];
	_ =	swait.ge [sflag:s4], $0x0  }
0x19: {  	s7 =	sld [smem:$0x3FA0]  }
0x1a: {  	s8 =	sadd.s32 $0xFFFFE003, lr  }
0x1b: {  	s9 =	sadd.s32 $0xFFFFFEF7, lr;
	s5 =	simm.s32 $0xFFFFFFFF;
	p2 =	slt.u32 s8, $0xFFFFF086  }
0x1c: {  	p1 =	slt.u32 s9, $0xF7A;
	s5 =	simm.s32 @!p2 $0x0  }
0x1d: {  	s5 =	simm.s32 @p1 $0x1;
	p0 =	seq.s32 s7, s2  }
0x1e: {  	s7 =	smul.u32 @!p0 $0xF7A, s2;
	p2 =	seq.s32 @!p0 s5, $0x0  }
0x1f: {  	s9 =	smul.u32 $0xF7A, s1;
	s8 =	simm.s32 @!p0 $0x1BF5;
	p2 =	por !p2, p0  }
0x20: {  	[sflag:s8] =	ssyncset.s32 @!p0 $0xFFFFF086;
	s6 =	sadd.s32 @!p0 s3, s7;
	s7 =	simm.s32 @!p0 $0x108  }
0x21: {  	s3 =	sadd.s32 s3, s9;
	s6 =	sadd.s32 @!p0 $0x88, s6;
	s7 =	simm.s32 @p2 $0x1082  }
0x22: {  	[simem:s7], [sflag:s8] =	dma.local @!p0 [hbm:s6], $0xF7A  }
0x23: {  	s9 =	sor.u32 $0xD0000000, s2;
	s6 =	simm.s32 $0x108;
	_ =	swait.ge @!p0 [sflag:s8], $0x0  }
0x24: {  	s3 =	sadd.s32 $0x88, s3;
	s6 =	simm.s32 @!p1 $0x1082;
	[sflag:s4] =	ssyncset.s32 $0xFFFFF086  }
0x25: {  	[simem:s6], [sflag:s4] =	dma.local [hbm:s3], $0xF7A  }
0x26: {  	[smem:$0x3FA0] =	sst s1;
	(tag) =	ssettag s2;
	_ =	strace s9  }
0x27: {  	s1 =	sld [smem:$0x3FB0]  }
0x28: {  	s2 =	sld [smem:$0x3FB1]  }
0x29: {  	s4 =	sld [smem:$0x3FB3]  }
0x2a: {  	p0 =	seq.s32 s5, $0x0;
	s5 =	sld [smem:$0x3FB4]  }
0x2b: {  	s6 =	sld [smem:$0x3FB5]  }
0x2c: {  	s7 =	sld [smem:$0x3FB6]  }
0x2d: {  	s3 =	simm.s32 $0x108;
	s8 =	sld [smem:$0x3FB7]  }
0x2e: {  	s3 =	simm.s32 @!p0 $0x1082;
	s9 =	sld [smem:$0x3FB8]  }
0x2f: {  	lr =	sadd.s32 s0, s3;
	s0 =	sld [smem:$0x3FAF]  }
0x30: {  	s3 =	sld [smem:$0x3FB2]  }
0x31: {  	[smem:$0x3FBB] =	sst s10  }
0x32: {  	s10 =	sld [smem:$0x3FB9];
	_ =	sdelay $0x3  }
0x33: {  	p0 =	seq.s32 s10, $0x1;
	s10 =	sld [smem:$0x3FBB];
	_ =	sdelay $0x3  }
0x34: {  	[smem:$0x3FBB] =	sst s10  }
0x35: {  	s10 =	sld [smem:$0x3FBA];
	_ =	sdelay $0x3  }
0x36: {  	p1 =	seq.s32 s10, $0x1;
	s10 =	sld [smem:$0x3FBB];
	_ =	sdelay $0x3  }
0x37: {  	[smem:$0x3FBB] =	sst s10  }
0x38: {  	s10 =	sld [smem:$0x3FBC]  }
0x39: {  	_ = 	snop;
	(pc) =	sbr.ind lr, $3  }
0x3a: {  	_ = 	snop  }
0x3b: {  	_ = 	snop  }
0x3c: {  	p2 =	seq.s32 s10, $0x1;
	s10 =	sld [smem:$0x3FBB]  }
0x3d: {  	_ =	shalt  }
0x3e: {  	_ =	shalt  }
0x3f: {  	_ =	shalt  }
0x40: {  	_ =	shalt  }
0x41: {  	_ =	shalt  }
0x42: {  	_ =	shalt  }
0x43: {  	_ =	shalt  }
0x44: {  	_ =	shalt  }
0x45: {  	_ =	shalt  }
0x46: {  	_ =	shalt  }
0x47: {  	_ =	shalt  }
0x48: {  	_ =	shalt  }
0x49: {  	_ =	shalt  }
0x4a: {  	_ =	shalt  }
0x4b: {  	_ =	shalt  }
0x4c: {  	_ =	shalt  }
0x4d: {  	_ =	shalt  }
0x4e: {  	_ =	shalt  }
0x4f: {  	_ =	shalt  }
0x50: {  	_ =	shalt  }
0x51: {  	_ =	shalt  }
0x52: {  	_ =	shalt  }
0x53: {  	_ =	shalt  }
0x54: {  	_ =	shalt  }
0x55: {  	_ =	shalt  }
0x56: {  	_ =	shalt  }
0x57: {  	_ =	shalt  }
0x58: {  	_ =	shalt  }
0x59: {  	_ =	shalt  }
0x5a: {  	_ =	shalt  }
0x5b: {  	_ =	shalt  }
0x5c: {  	_ =	shalt  }
0x5d: {  	_ =	shalt  }
0x5e: {  	_ =	shalt  }
0x5f: {  	_ =	shalt  }
0x60: {  	_ =	shalt  }
0x61: {  	_ =	shalt  }
0x62: {  	_ =	shalt  }
0x63: {  	_ =	shalt  }
0x64: {  	_ =	shalt  }
0x65: {  	_ =	shalt  }
0x66: {  	_ =	shalt  }
0x67: {  	_ =	shalt  }
0x68: {  	_ =	shalt  }
0x69: {  	_ =	shalt  }
0x6a: {  	_ =	shalt  }
0x6b: {  	_ =	shalt  }
0x6c: {  	_ =	shalt  }
0x6d: {  	_ =	shalt  }
0x6e: {  	_ =	shalt  }
0x6f: {  	_ =	shalt  }
0x70: {  	_ =	shalt  }
0x71: {  	_ =	shalt  }
0x72: {  	_ =	shalt  }
0x73: {  	_ =	shalt  }
0x74: {  	_ =	shalt  }
0x75: {  	_ =	shalt  }
0x76: {  	_ =	shalt  }
0x77: {  	_ =	shalt  }
0x78: {  	_ =	shalt  }
0x79: {  	_ =	shalt  }
0x7a: {  	_ =	shalt  }
0x7b: {  	_ =	shalt  }
0x7c: {  	_ =	shalt  }
0x7d: {  	_ =	shalt  }
0x7e: {  	_ =	shalt  }
0x7f: {  	_ =	shalt  }
0x80: {  	_ =	shalt  }
0x81: {  	_ =	shalt  }
0x82: {  	_ =	shalt  }
0x83: {  	_ =	shalt  }
0x84: {  	_ =	shalt  }
0x85: {  	_ =	shalt  }
0x86: {  	_ =	shalt  }
0x87: {  	_ =	shalt  }
.Lfunc_end0:
.L_simem_size_0:
called_computation_lowered:
.L_overlay_start_0:
0x88: {  	s2 =	sld [smem:$0x3FD9]  }
0x89: {  	s3 =	sld [smem:$0x3FFE];
	_ =	sdelay $0x1  }
0x8a: {  	s1 =	srdreg.scid  }
0x8b: {  	s0 =	sand.u32 $0x1, s1  }
0x8c: {  	s17 =	sshll.u32 s0, $0xA;
	s2 =	sadd.s32 s3, s2  }
0x8d: {  	s2 =	sadd.s32 s2, s17  }
0x8e: {  	[smem:$0x3FC7] =	sst s2  }
0x8f: {  	_ = 	snop  }
0x90: {  	s2 =	sld [smem:$0x3FD0];
	(tm) =	ssettm $0x1  }
0x91: {  	s18 =	sld [smem:$0x3FFB];
	_ =	sdelay $0x3  }
0x92: {  	_ =	strace s18  }
0x93: {  	s3 =	sld [smem:$0x3FFC];
	_ =	sdelay $0x3  }
0x94: {  	_ =	strace s3  }
0x95: {  	s3 =	sld [smem:$0x3FFD];
	_ =	sdelay $0x3  }
0x96: {  	_ =	strace s3  }
0x97: {  	_ =	strace $0x8FFFFFFF  }
0x98: {  	s19 =	sld [smem:$0x3FDB];
	_ =	sdelay $0x1  }
0x99: {  	s4 =	simm.s32 $_scs_section_size  }
0x9a: {  	s5 =	simm.s32 $_size__tile_overlayer_lowered;
	s6 =	simm.s32 $_tile_overlayer_lowered  }
0x9b: {  	s22 =	simm.s32 $0x1BFF;
	s21 =	sshll.u32 s6, $0x1;
	s3 =	sadd.s32 s4, s19  }
0x9c: {  	s7 =	simm.s32 $0x0;
	s20 =	sshll.u32 s5, $0x1;
	s5 =	sadd.s32 s21, s3  }
0x9d: {  	[timem:s7], [sflag:s22] =	dma.local [hbm:s5], s20  }
0x9e: {  	_ =	swait.ge [sflag:s22], s20  }
0x9f: {  	s4 =	ssub.s32 $0x0, s20;
	[sflag:s22] =	ssyncset.done $0x0  }
0xa0: {  	[sflag:s22] =	ssyncadd.s32 s4;
	_ =	sdelay $0x1  }
0xa1: {  	s23 =	simm.s32 $0x1B8B  }
0xa2: {  	_ =	swait.ge [sflag:s23], $0x1  }
0xa3: {  	[sflag:s23] =	ssyncset.done $0x0  }
0xa4: {  	s25 =	simm.s32 $0x1B8E;
	s24 =	sld [smem:$0x3FFE];
	[sflag:s23] =	ssyncadd.s32 $0xFFFFFFFF  }
0xa5: {  	s26 =	simm.s32 $execute0_lowered;
	[smem:$0x3FD2] =	sst s25  }
0xa6: {  	s5 =	sshll.u32 s26, $0x1;
	_ =	strace $0x80000046;
	[dreg:$0x1] =	wrdreg $0xFFFFFFFF  }
0xa7: {  	s28 =	simm.s32 $_size_execute0_lowered;
	s3 =	sadd.s32 s3, s5;
	[dreg:$0x0] =	wrdreg $0x0  }
0xa8: {  	s5 =	sshll.u32 s28, $0x1;
	[dreg:$0x2] =	wrdreg s3  }
0xa9: {  	[dreg:$0x3] =	wrdreg s5  }
0xaa: {  	[dreg:$0x4] =	wrdreg $0xC0  }
0xab: {  	_ =	task [dreg:s7], $0x5FFFF  }
0xac: {  	[dreg:$0x1] =	wrdreg $0xFFFFFFFF  }
0xad: {  	[dreg:$0x0] =	wrdreg $0x60  }
0xae: {  	[dreg:$0x2] =	wrdreg s24  }
0xaf: {  	[dreg:$0x3] =	wrdreg s2  }
0xb0: {  	[dreg:$0x4] =	wrdreg $0x9  }
0xb1: {  	_ =	task.clear_ibuf [dreg:s7], $0x5FFFF;
	_ =	strace $0x90000046  }
0xb2: {  	s29 =	simm.s32 $0x9;
	_ =	strace $0x80000048  }
0xb3: {  	_ =	swait.ge [sflag:s29], $0x1  }
0xb4: {  	[sflag:s29] =	ssyncadd.s32 $0xFFFFFFFF  }
0xb5: {  	_ =	strace $0x90000048  }
0xb6: {  	_ =	sfence  }
0xb7: {  	s30 =	sld [smem:$0x0];
	_ =	sdelay $0x2  }
0xb8: {  	s31 =	sshll.u32 s1, $0xD;
	s1 =	sshrl.u32 s1, $0x2  }
0xb9: {  	s3 =	sand.u32 $0x4000, s31;
	s1 =	sadd.s32 s1, s30  }
0xba: {  	s0 =	sor.u32 s3, s0;
	s1 =	sshll.u32 s1, $0x11  }
0xbb: {  	s0 =	sor.u32 s1, s0  }
0xbc: {  	s0 =	sadd.s32 $0x8F2B, s0  }
0xbd: {  	[sflag:s0] =	ssyncadd.remote.s32 $0x1  }
0xbe: {  	_ =	sfence.sel $0xFFFF  }
0xbf: {  	[dreg:$0x0] =	wrdreg $0xFFFFFFFF;
	(pc) =	sbr.abs _section_cstart, $3  }
0xc0: {  	[dreg:$0x1] =	wrdreg $0xFFFFFFFF  }
0xc1: {  	_ =	task.clear_ibuf [dreg:s7], $0x2FFFF;
	_ =	strace $0x9FFFFFFF  }
0xc2: {  	(tm) =	ssettm $0x7FFFFFFF  }
0xc3: {  	_ =	shalt  }
tec
execute0_lowered:
.L_overlay_start_1:
0x0: {  	(tag) =	ssettag $0x1  }
0x1: {  	s0 =	srdreg.scid;
	s1 =	rddreg [dreg:$0x0]  }
0x2: {  	s2 =	stileid.u32;
	s4 =	rddreg [dreg:$0x1]  }
0x3: {  	s16 =	simm.s32 $0x2;
	s18 =	simm.s32 $0x900;
	s19 =	simm.s32 $0xD00  }
0x4: {  	s20 =	simm.s32 $0x1500;
	s21 =	simm.s32 $0x1900;
	s22 =	simm.s32 $0x2100  }
0x5: {  	s28 =	simm.s32 $0x3900;
	s29 =	simm.s32 $0x3D00;
	s30 =	simm.s32 $0x4500  }
0x6: {  	s31 =	simm.s32 $0x4900;
	s15 =	simm.s32 $0x6100;
	s9 =	simm.s32 $0x6900  }
0x7: {  	s10 =	simm.s32 $0x6D00;
	s11 =	simm.s32 $0x7500;
	s12 =	simm.s32 $0x7900  }
0x8: {  	s13 =	simm.s32 $0x8100;
	s14 =	simm.s32 $0x8500;
	s0 =	sand.u32 $0x1, s0  }
0x9: {  	s2 =	sshll.u32 s2, $0x6;
	s3 =	sshll.u32 s0, $0x5;
	s0 =	ssub.s32 $0x2, s0  }
0xa: {  	s5 =	sor.u32 s3, s2;
	s2 =	simm.s32 $0x0;
	s3 =	sadd.s32 $0x400, s1  }
0xb: {  	s26 =	sshrl.u32 s0, $0x1;
	s6 =	smul.u32 $0x180, s5;
	[smem:$0x7FF] =	sst s2  }
0xc: {  	s7 =	smul.u32 $0xC00, s5;
	s5 =	sadd.s32 s1, s5;
	s0 =	ssub.s32 s0, s26  }
0xd: {  	s26 =	simm.s32 $0x3100;
	_ =	strace $0x80000047;
	[dreg:$0x3] =	wrdreg s5  }
0xe: {  	s5 =	sadd.s32 $0x500, s1;
	s1 =	simm.s32 $0x5100;
	s8 =	sadd.s32 s4, s6  }
0xf: {  	s23 =	sshrl.u32 s7, $0x3;
	s6 =	smax.u32 s0, $0x1;
	s7 =	simm.s32 $0x3  }
0x10: {  	[dreg:$0x7] =	wrdreg s8;
	s24 =	sadd.s32 $0xC00, s8;
	s4 =	sadd.s32 s4, s23  }
0x11: {  	v2 =	vlaneseq.u32;
	s8 =	simm.s32 $0x1;
	[dreg:$0x4] =	wrdreg s24;
	s25 =	sadd.s32 $0x1800, s4  }
0x12: {  	vm0 =	vmmov $0xffff;
	vm1 =	vmmov $0xff;
	v1 =	vshrl.u32 v2, $0x3;
	s23 =	simm.s32 $0x2500;
	s4 =	sadd.s32 $0x2400, s4;
	[dreg:$0x5] =	wrdreg s25  }
0x13: {  	v0 =	vand.u32 $0x7, v2;
	v2 =	vor.u32 $0x8, v2;
	v1 =	vmul.u32 $0x8, v1;
	[dreg:$0x6] =	wrdreg s4;
	s25 =	simm.s32 $0x2D00;
	s4 =	simm.s32 $0x5D00  }
.LBB2_1:
0x14: {  	s17 =	rddreg [dreg:$0x3]  }
0x15: {  	[tilespmem:s2], [sflag:$0x3] =	stream.linear.gather [hbm4b:s17+s2], $0x100, $0x38;
	[tilespmem:$0xC100] =	vst v63  }
0x16: {  	_ =	swait.ge [sflag:s7], $0x100  }
0x17: {  	[sflag:s7] =	ssyncset.done $0x0  }
0x18: {  	[sflag:s7] =	ssyncadd.s32 $0xFFFFFF00  }
0x19: {  	v3 =	vld [tilespmem:$0x0];
	_ =	sdelay $0x4  }
0x1a: {  	v4 =	vshrl.u32 v3, $0x3  }
0x1b: {  	v4 =	vmul.u32 $0x18, v4  }
0x1c: {  	v3 =	vand.u32 $0x7, v3  }
0x1d: {  	v3 =	vor.u32 v3, v4  }
0x1e: {  	v4 =	vperm.xlane v3, v0;
	_ =	sdelay $0x1  }
0x1f: {  	v4 =	vadd.s32 v1, v4;
	_ =	sdelay $0x1  }
0x20: {  	v3 =	vperm.xlane v3, v2;
	_ =	sdelay $0x1  }
0x21: {  	s0 =	simm.s32 $0x100;
	v3 =	vadd.s32 v1, v3  }
0x22: {  	[tilespmem:s0], [sflag:$0x1] =	stream.indirect_vreg.gather [hbm4b:s3+s2], $0x80, v4, vm0, $0xb8;
	[tilespmem:$0xC100] =	vst v63  }
0x23: {  	_ = 	snop  }
0x24: {  	[tilespmem:s18], [sflag:$0x1] =	stream.indirect_vreg.gather [hbm4b:s5+s2], $0x80, v4, vm1, $0xb8;
	[tilespmem:$0xC100] =	vst v63  }
0x25: {  	_ = 	snop  }
0x26: {  	[tilespmem:s19], [sflag:$0x1] =	stream.indirect_vreg.gather [hbm4b:s3+s2], $0x80, v3, vm0, $0xb8;
	[tilespmem:$0xC100] =	vst v63  }
0x27: {  	_ = 	snop  }
0x28: {  	[tilespmem:s20], [sflag:$0x1] =	stream.indirect_vreg.gather [hbm4b:s5+s2], $0x80, v3, vm1, $0xb8;
	[tilespmem:$0xC100] =	vst v63  }
0x29: {  	v3 =	vld [tilespmem:$0x10];
	_ =	sdelay $0x4  }
0x2a: {  	v49 =	vshrl.u32 v3, $0x3  }
0x2b: {  	v4 =	vmul.u32 $0x18, v49  }
0x2c: {  	v3 =	vand.u32 $0x7, v3  }
0x2d: {  	v3 =	vor.u32 v3, v4  }
0x2e: {  	v4 =	vperm.xlane v3, v0;
	_ =	sdelay $0x1  }
0x2f: {  	v4 =	vadd.s32 v1, v4;
	_ =	sdelay $0x1  }
0x30: {  	v3 =	vperm.xlane v3, v2;
	_ =	sdelay $0x1  }
0x31: {  	v3 =	vadd.s32 v1, v3  }
0x32: {  	[tilespmem:s21], [sflag:$0x1] =	stream.indirect_vreg.gather [hbm4b:s3+s2], $0x80, v4, vm0, $0xb8;
	[tilespmem:$0xC100] =	vst v63  }
0x33: {  	_ = 	snop  }
0x34: {  	[tilespmem:s22], [sflag:$0x1] =	stream.indirect_vreg.gather [hbm4b:s5+s2], $0x80, v4, vm1, $0xb8;
	[tilespmem:$0xC100] =	vst v63  }
0x35: {  	_ = 	snop  }
0x36: {  	[tilespmem:s23], [sflag:$0x1] =	stream.indirect_vreg.gather [hbm4b:s3+s2], $0x80, v3, vm0, $0xb8;
	[tilespmem:$0xC100] =	vst v63  }
0x37: {  	_ = 	snop  }
0x38: {  	[tilespmem:s25], [sflag:$0x1] =	stream.indirect_vreg.gather [hbm4b:s5+s2], $0x80, v3, vm1, $0xb8;
	[tilespmem:$0xC100] =	vst v63  }
0x39: {  	v3 =	vld [tilespmem:$0x20];
	_ =	sdelay $0x4  }
0x3a: {  	v50 =	vshrl.u32 v3, $0x3  }
0x3b: {  	v4 =	vmul.u32 $0x18, v50  }
0x3c: {  	v3 =	vand.u32 $0x7, v3  }
0x3d: {  	v3 =	vor.u32 v3, v4  }
0x3e: {  	v4 =	vperm.xlane v3, v0;
	_ =	sdelay $0x1  }
0x3f: {  	v4 =	vadd.s32 v1, v4;
	_ =	sdelay $0x1  }
0x40: {  	v3 =	vperm.xlane v3, v2;
	_ =	sdelay $0x1  }
0x41: {  	v3 =	vadd.s32 v1, v3  }
0x42: {  	[tilespmem:s26], [sflag:$0x1] =	stream.indirect_vreg.gather [hbm4b:s3+s2], $0x80, v4, vm0, $0xb8;
	[tilespmem:$0xC100] =	vst v63  }
0x43: {  	_ = 	snop  }
0x44: {  	[tilespmem:s28], [sflag:$0x1] =	stream.indirect_vreg.gather [hbm4b:s5+s2], $0x80, v4, vm1, $0xb8;
	[tilespmem:$0xC100] =	vst v63  }
0x45: {  	_ = 	snop  }
0x46: {  	[tilespmem:s29], [sflag:$0x1] =	stream.indirect_vreg.gather [hbm4b:s3+s2], $0x80, v3, vm0, $0xb8;
	[tilespmem:$0xC100] =	vst v63  }
0x47: {  	_ = 	snop  }
0x48: {  	[tilespmem:s30], [sflag:$0x1] =	stream.indirect_vreg.gather [hbm4b:s5+s2], $0x80, v3, vm1, $0xb8;
	[tilespmem:$0xC100] =	vst v63  }
0x49: {  	v3 =	vld [tilespmem:$0x30];
	_ =	sdelay $0x4  }
0x4a: {  	v51 =	vshrl.u32 v3, $0x3  }
0x4b: {  	v4 =	vmul.u32 $0x18, v51  }
0x4c: {  	v3 =	vand.u32 $0x7, v3  }
0x4d: {  	v3 =	vor.u32 v3, v4  }
0x4e: {  	v4 =	vperm.xlane v3, v0;
	_ =	sdelay $0x1  }
0x4f: {  	v4 =	vadd.s32 v1, v4;
	_ =	sdelay $0x1  }
0x50: {  	v3 =	vperm.xlane v3, v2;
	_ =	sdelay $0x1  }
0x51: {  	v3 =	vadd.s32 v1, v3  }
0x52: {  	[tilespmem:s31], [sflag:$0x1] =	stream.indirect_vreg.gather [hbm4b:s3+s2], $0x80, v4, vm0, $0xb8;
	[tilespmem:$0xC100] =	vst v63  }
0x53: {  	_ = 	snop  }
0x54: {  	[tilespmem:s1], [sflag:$0x1] =	stream.indirect_vreg.gather [hbm4b:s5+s2], $0x80, v4, vm1, $0xb8;
	[tilespmem:$0xC100] =	vst v63  }
0x55: {  	s0 =	simm.s32 $0x5500  }
0x56: {  	[tilespmem:s0], [sflag:$0x1] =	stream.indirect_vreg.gather [hbm4b:s3+s2], $0x80, v3, vm0, $0xb8;
	[tilespmem:$0xC100] =	vst v63  }
0x57: {  	_ = 	snop  }
0x58: {  	[tilespmem:s4], [sflag:$0x1] =	stream.indirect_vreg.gather [hbm4b:s5+s2], $0x80, v3, vm1, $0xb8;
	[tilespmem:$0xC100] =	vst v63  }
0x59: {  	v3 =	vld [tilespmem:$0x40];
	_ =	sdelay $0x4  }
0x5a: {  	v52 =	vshrl.u32 v3, $0x3  }
0x5b: {  	v4 =	vmul.u32 $0x18, v52  }
0x5c: {  	v3 =	vand.u32 $0x7, v3  }
0x5d: {  	v3 =	vor.u32 v3, v4  }
0x5e: {  	v4 =	vperm.xlane v3, v0;
	_ =	sdelay $0x1  }
0x5f: {  	v4 =	vadd.s32 v1, v4;
	_ =	sdelay $0x1  }
0x60: {  	v3 =	vperm.xlane v3, v2;
	_ =	sdelay $0x1  }
0x61: {  	v3 =	vadd.s32 v1, v3  }
0x62: {  	[tilespmem:s15], [sflag:$0x2] =	stream.indirect_vreg.gather [hbm4b:s3+s2], $0x80, v4, vm0, $0xb8;
	[tilespmem:$0xC100] =	vst v63  }
0x63: {  	_ = 	snop  }
0x64: {  	[tilespmem:s9], [sflag:$0x2] =	stream.indirect_vreg.gather [hbm4b:s5+s2], $0x80, v4, vm1, $0xb8;
	[tilespmem:$0xC100] =	vst v63  }
0x65: {  	_ = 	snop  }
0x66: {  	[tilespmem:s10], [sflag:$0x2] =	stream.indirect_vreg.gather [hbm4b:s3+s2], $0x80, v3, vm0, $0xb8;
	[tilespmem:$0xC100] =	vst v63  }
0x67: {  	_ = 	snop  }
0x68: {  	[tilespmem:s11], [sflag:$0x2] =	stream.indirect_vreg.gather [hbm4b:s5+s2], $0x80, v3, vm1, $0xb8;
	[tilespmem:$0xC100] =	vst v63  }
0x69: {  	v3 =	vld [tilespmem:$0x50];
	_ =	sdelay $0x4  }
0x6a: {  	v53 =	vshrl.u32 v3, $0x3  }
0x6b: {  	v4 =	vmul.u32 $0x18, v53  }
0x6c: {  	v3 =	vand.u32 $0x7, v3  }
0x6d: {  	v3 =	vor.u32 v3, v4  }
0x6e: {  	v4 =	vperm.xlane v3, v0;
	_ =	sdelay $0x1  }
0x6f: {  	v4 =	vadd.s32 v1, v4;
	_ =	sdelay $0x1  }
0x70: {  	v3 =	vperm.xlane v3, v2;
	_ =	sdelay $0x1  }
0x71: {  	v3 =	vadd.s32 v1, v3  }
0x72: {  	[tilespmem:s12], [sflag:$0x2] =	stream.indirect_vreg.gather [hbm4b:s3+s2], $0x80, v4, vm0, $0xb8;
	[tilespmem:$0xC100] =	vst v63  }
0x73: {  	_ = 	snop  }
0x74: {  	[tilespmem:s13], [sflag:$0x2] =	stream.indirect_vreg.gather [hbm4b:s5+s2], $0x80, v4, vm1, $0xb8;
	[tilespmem:$0xC100] =	vst v63  }
0x75: {  	_ = 	snop  }
0x76: {  	[tilespmem:s14], [sflag:$0x2] =	stream.indirect_vreg.gather [hbm4b:s3+s2], $0x80, v3, vm0, $0xb8;
	[tilespmem:$0xC100] =	vst v63  }
0x77: {  	s24 =	simm.s32 $0x8D00  }
0x78: {  	[tilespmem:s24], [sflag:$0x2] =	stream.indirect_vreg.gather [hbm4b:s5+s2], $0x80, v3, vm1, $0xb8;
	[tilespmem:$0xC100] =	vst v63  }
0x79: {  	v3 =	vld [tilespmem:$0x60];
	_ =	sdelay $0x4  }
0x7a: {  	v54 =	vshrl.u32 v3, $0x3  }
0x7b: {  	v4 =	vmul.u32 $0x18, v54  }
0x7c: {  	v3 =	vand.u32 $0x7, v3  }
0x7d: {  	v3 =	vor.u32 v3, v4  }
0x7e: {  	v4 =	vperm.xlane v3, v0;
	_ =	sdelay $0x1  }
0x7f: {  	v4 =	vadd.s32 v1, v4;
	_ =	sdelay $0x1  }
0x80: {  	v3 =	vperm.xlane v3, v2;
	_ =	sdelay $0x1  }
0x81: {  	s24 =	simm.s32 $0x9100;
	v3 =	vadd.s32 v1, v3  }
0x82: {  	[tilespmem:s24], [sflag:$0x2] =	stream.indirect_vreg.gather [hbm4b:s3+s2], $0x80, v4, vm0, $0xb8;
	[tilespmem:$0xC100] =	vst v63  }
0x83: {  	s24 =	simm.s32 $0x9900  }
0x84: {  	[tilespmem:s24], [sflag:$0x2] =	stream.indirect_vreg.gather [hbm4b:s5+s2], $0x80, v4, vm1, $0xb8;
	[tilespmem:$0xC100] =	vst v63  }
0x85: {  	s24 =	simm.s32 $0x9D00  }
0x86: {  	[tilespmem:s24], [sflag:$0x2] =	stream.indirect_vreg.gather [hbm4b:s3+s2], $0x80, v3, vm0, $0xb8;
	[tilespmem:$0xC100] =	vst v63  }
0x87: {  	s24 =	simm.s32 $0xA500  }
0x88: {  	[tilespmem:s24], [sflag:$0x2] =	stream.indirect_vreg.gather [hbm4b:s5+s2], $0x80, v3, vm1, $0xb8;
	[tilespmem:$0xC100] =	vst v63  }
0x89: {  	v3 =	vld [tilespmem:$0x70];
	_ =	sdelay $0x4  }
0x8a: {  	v55 =	vshrl.u32 v3, $0x3  }
0x8b: {  	v4 =	vmul.u32 $0x18, v55  }
0x8c: {  	v3 =	vand.u32 $0x7, v3  }
0x8d: {  	v3 =	vor.u32 v3, v4  }
0x8e: {  	v4 =	vperm.xlane v3, v0;
	_ =	sdelay $0x1  }
0x8f: {  	v4 =	vadd.s32 v1, v4;
	_ =	sdelay $0x1  }
0x90: {  	v3 =	vperm.xlane v3, v2;
	_ =	sdelay $0x1  }
0x91: {  	s24 =	simm.s32 $0xA900;
	v3 =	vadd.s32 v1, v3  }
0x92: {  	[tilespmem:s24], [sflag:$0x2] =	stream.indirect_vreg.gather [hbm4b:s3+s2], $0x80, v4, vm0, $0xb8;
	[tilespmem:$0xC100] =	vst v63  }
0x93: {  	s24 =	simm.s32 $0xB100  }
0x94: {  	[tilespmem:s24], [sflag:$0x2] =	stream.indirect_vreg.gather [hbm4b:s5+s2], $0x80, v4, vm1, $0xb8;
	[tilespmem:$0xC100] =	vst v63  }
0x95: {  	s24 =	simm.s32 $0xB500  }
0x96: {  	[tilespmem:s24], [sflag:$0x2] =	stream.indirect_vreg.gather [hbm4b:s3+s2], $0x80, v3, vm0, $0xb8;
	[tilespmem:$0xC100] =	vst v63  }
0x97: {  	s24 =	simm.s32 $0xBD00  }
0x98: {  	[tilespmem:s24], [sflag:$0x2] =	stream.indirect_vreg.gather [hbm4b:s5+s2], $0x80, v3, vm1, $0xb8;
	[tilespmem:$0xC100] =	vst v63  }
0x99: {  	_ =	swait.ge [sflag:s8], $0x6000  }
0x9a: {  	[sflag:s8] =	ssyncset.done $0x0  }
0x9b: {  	s24 =	simm.s32 $0x100;
	s17 =	rddreg [dreg:$0x7];
	[sflag:s8] =	ssyncadd.s32 $0xFFFFA000  }
0x9c: {  	[hbm4b:s17+s2] =	stream.linear.scatter [tilespmem:s24], [sflag:$0x3], $0x6000, $0x38;
	[tilespmem:$0xC100] =	vst v63  }
0x9d: {  	_ =	swait.ge [sflag:s7], $0x6000  }
0x9e: {  	[sflag:s7] =	ssyncset.done $0x0  }
0x9f: {  	[sflag:s7] =	ssyncadd.s32 $0xFFFFA000  }
0xa0: {  	v3 =	vld [tilespmem:$0x80];
	_ =	sdelay $0x4  }
0xa1: {  	v56 =	vshrl.u32 v3, $0x3  }
0xa2: {  	v4 =	vmul.u32 $0x18, v56  }
0xa3: {  	v3 =	vand.u32 $0x7, v3  }
0xa4: {  	v3 =	vor.u32 v3, v4  }
0xa5: {  	v4 =	vperm.xlane v3, v0;
	_ =	sdelay $0x1  }
0xa6: {  	v4 =	vadd.s32 v1, v4;
	_ =	sdelay $0x1  }
0xa7: {  	v3 =	vperm.xlane v3, v2;
	_ =	sdelay $0x1  }
0xa8: {  	v3 =	vadd.s32 v1, v3  }
0xa9: {  	[tilespmem:s24], [sflag:$0x1] =	stream.indirect_vreg.gather [hbm4b:s3+s2], $0x80, v4, vm0, $0xb8;
	[tilespmem:$0xC100] =	vst v63  }
0xaa: {  	_ = 	snop  }
0xab: {  	[tilespmem:s18], [sflag:$0x1] =	stream.indirect_vreg.gather [hbm4b:s5+s2], $0x80, v4, vm1, $0xb8;
	[tilespmem:$0xC100] =	vst v63  }
0xac: {  	_ = 	snop  }
0xad: {  	[tilespmem:s19], [sflag:$0x1] =	stream.indirect_vreg.gather [hbm4b:s3+s2], $0x80, v3, vm0, $0xb8;
	[tilespmem:$0xC100] =	vst v63  }
0xae: {  	_ = 	snop  }
0xaf: {  	[tilespmem:s20], [sflag:$0x1] =	stream.indirect_vreg.gather [hbm4b:s5+s2], $0x80, v3, vm1, $0xb8;
	[tilespmem:$0xC100] =	vst v63  }
0xb0: {  	v3 =	vld [tilespmem:$0x90];
	_ =	sdelay $0x4  }
0xb1: {  	v57 =	vshrl.u32 v3, $0x3  }
0xb2: {  	v4 =	vmul.u32 $0x18, v57  }
0xb3: {  	v3 =	vand.u32 $0x7, v3  }
0xb4: {  	v3 =	vor.u32 v3, v4  }
0xb5: {  	v4 =	vperm.xlane v3, v0;
	_ =	sdelay $0x1  }
0xb6: {  	v4 =	vadd.s32 v1, v4;
	_ =	sdelay $0x1  }
0xb7: {  	v3 =	vperm.xlane v3, v2;
	_ =	sdelay $0x1  }
0xb8: {  	v3 =	vadd.s32 v1, v3  }
0xb9: {  	[tilespmem:s21], [sflag:$0x1] =	stream.indirect_vreg.gather [hbm4b:s3+s2], $0x80, v4, vm0, $0xb8;
	[tilespmem:$0xC100] =	vst v63  }
0xba: {  	_ = 	snop  }
0xbb: {  	[tilespmem:s22], [sflag:$0x1] =	stream.indirect_vreg.gather [hbm4b:s5+s2], $0x80, v4, vm1, $0xb8;
	[tilespmem:$0xC100] =	vst v63  }
0xbc: {  	_ = 	snop  }
0xbd: {  	[tilespmem:s23], [sflag:$0x1] =	stream.indirect_vreg.gather [hbm4b:s3+s2], $0x80, v3, vm0, $0xb8;
	[tilespmem:$0xC100] =	vst v63  }
0xbe: {  	_ = 	snop  }
0xbf: {  	[tilespmem:s25], [sflag:$0x1] =	stream.indirect_vreg.gather [hbm4b:s5+s2], $0x80, v3, vm1, $0xb8;
	[tilespmem:$0xC100] =	vst v63  }
0xc0: {  	v3 =	vld [tilespmem:$0xA0];
	_ =	sdelay $0x4  }
0xc1: {  	v58 =	vshrl.u32 v3, $0x3  }
0xc2: {  	v4 =	vmul.u32 $0x18, v58  }
0xc3: {  	v3 =	vand.u32 $0x7, v3  }
0xc4: {  	v3 =	vor.u32 v3, v4  }
0xc5: {  	v4 =	vperm.xlane v3, v0;
	_ =	sdelay $0x1  }
0xc6: {  	v4 =	vadd.s32 v1, v4;
	_ =	sdelay $0x1  }
0xc7: {  	v3 =	vperm.xlane v3, v2;
	_ =	sdelay $0x1  }
0xc8: {  	v3 =	vadd.s32 v1, v3  }
0xc9: {  	[tilespmem:s26], [sflag:$0x1] =	stream.indirect_vreg.gather [hbm4b:s3+s2], $0x80, v4, vm0, $0xb8;
	[tilespmem:$0xC100] =	vst v63  }
0xca: {  	_ = 	snop  }
0xcb: {  	[tilespmem:s28], [sflag:$0x1] =	stream.indirect_vreg.gather [hbm4b:s5+s2], $0x80, v4, vm1, $0xb8;
	[tilespmem:$0xC100] =	vst v63  }
0xcc: {  	_ = 	snop  }
0xcd: {  	[tilespmem:s29], [sflag:$0x1] =	stream.indirect_vreg.gather [hbm4b:s3+s2], $0x80, v3, vm0, $0xb8;
	[tilespmem:$0xC100] =	vst v63  }
0xce: {  	_ = 	snop  }
0xcf: {  	[tilespmem:s30], [sflag:$0x1] =	stream.indirect_vreg.gather [hbm4b:s5+s2], $0x80, v3, vm1, $0xb8;
	[tilespmem:$0xC100] =	vst v63  }
0xd0: {  	v3 =	vld [tilespmem:$0xB0];
	_ =	sdelay $0x4  }
0xd1: {  	v59 =	vshrl.u32 v3, $0x3  }
0xd2: {  	v4 =	vmul.u32 $0x18, v59  }
0xd3: {  	v3 =	vand.u32 $0x7, v3  }
0xd4: {  	v3 =	vor.u32 v3, v4  }
0xd5: {  	v4 =	vperm.xlane v3, v0;
	_ =	sdelay $0x1  }
0xd6: {  	v4 =	vadd.s32 v1, v4;
	_ =	sdelay $0x1  }
0xd7: {  	v3 =	vperm.xlane v3, v2;
	_ =	sdelay $0x1  }
0xd8: {  	v3 =	vadd.s32 v1, v3  }
0xd9: {  	[tilespmem:s31], [sflag:$0x1] =	stream.indirect_vreg.gather [hbm4b:s3+s2], $0x80, v4, vm0, $0xb8;
	[tilespmem:$0xC100] =	vst v63  }
0xda: {  	_ = 	snop  }
0xdb: {  	[tilespmem:s1], [sflag:$0x1] =	stream.indirect_vreg.gather [hbm4b:s5+s2], $0x80, v4, vm1, $0xb8;
	[tilespmem:$0xC100] =	vst v63  }
0xdc: {  	_ = 	snop  }
0xdd: {  	[tilespmem:s0], [sflag:$0x1] =	stream.indirect_vreg.gather [hbm4b:s3+s2], $0x80, v3, vm0, $0xb8;
	[tilespmem:$0xC100] =	vst v63  }
0xde: {  	_ = 	snop  }
0xdf: {  	[tilespmem:s4], [sflag:$0x1] =	stream.indirect_vreg.gather [hbm4b:s5+s2], $0x80, v3, vm1, $0xb8;
	[tilespmem:$0xC100] =	vst v63  }
0xe0: {  	_ =	swait.ge [sflag:s16], $0x6000  }
0xe1: {  	[sflag:s16] =	ssyncset.done $0x0  }
0xe2: {  	s0 =	rddreg [dreg:$0x4];
	[sflag:s16] =	ssyncadd.s32 $0xFFFFA000  }
0xe3: {  	[hbm4b:s0+s2] =	stream.linear.scatter [tilespmem:s15], [sflag:$0x3], $0x6000, $0x38;
	[tilespmem:$0xC100] =	vst v63  }
0xe4: {  	_ =	swait.ge [sflag:s7], $0x6000  }
0xe5: {  	[sflag:s7] =	ssyncset.done $0x0  }
0xe6: {  	[sflag:s7] =	ssyncadd.s32 $0xFFFFA000  }
0xe7: {  	v3 =	vld [tilespmem:$0xC0];
	_ =	sdelay $0x4  }
0xe8: {  	v60 =	vshrl.u32 v3, $0x3  }
0xe9: {  	v4 =	vmul.u32 $0x18, v60  }
0xea: {  	v3 =	vand.u32 $0x7, v3  }
0xeb: {  	v3 =	vor.u32 v3, v4  }
0xec: {  	v4 =	vperm.xlane v3, v0;
	_ =	sdelay $0x1  }
0xed: {  	v4 =	vadd.s32 v1, v4;
	_ =	sdelay $0x1  }
0xee: {  	v3 =	vperm.xlane v3, v2;
	_ =	sdelay $0x1  }
0xef: {  	v3 =	vadd.s32 v1, v3  }
0xf0: {  	[tilespmem:s15], [sflag:$0x2] =	stream.indirect_vreg.gather [hbm4b:s3+s2], $0x80, v4, vm0, $0xb8;
	[tilespmem:$0xC100] =	vst v63  }
0xf1: {  	_ = 	snop  }
0xf2: {  	[tilespmem:s9], [sflag:$0x2] =	stream.indirect_vreg.gather [hbm4b:s5+s2], $0x80, v4, vm1, $0xb8;
	[tilespmem:$0xC100] =	vst v63  }
0xf3: {  	_ = 	snop  }
0xf4: {  	[tilespmem:s10], [sflag:$0x2] =	stream.indirect_vreg.gather [hbm4b:s3+s2], $0x80, v3, vm0, $0xb8;
	[tilespmem:$0xC100] =	vst v63  }
0xf5: {  	_ = 	snop  }
0xf6: {  	[tilespmem:s11], [sflag:$0x2] =	stream.indirect_vreg.gather [hbm4b:s5+s2], $0x80, v3, vm1, $0xb8;
	[tilespmem:$0xC100] =	vst v63  }
0xf7: {  	v3 =	vld [tilespmem:$0xD0];
	_ =	sdelay $0x4  }
0xf8: {  	v61 =	vshrl.u32 v3, $0x3  }
0xf9: {  	v4 =	vmul.u32 $0x18, v61  }
0xfa: {  	v3 =	vand.u32 $0x7, v3  }
0xfb: {  	v3 =	vor.u32 v3, v4  }
0xfc: {  	v4 =	vperm.xlane v3, v0;
	_ =	sdelay $0x1  }
0xfd: {  	v4 =	vadd.s32 v1, v4;
	_ =	sdelay $0x1  }
0xfe: {  	v3 =	vperm.xlane v3, v2;
	_ =	sdelay $0x1  }
0xff: {  	v3 =	vadd.s32 v1, v3  }
0x100: {  	[tilespmem:s12], [sflag:$0x2] =	stream.indirect_vreg.gather [hbm4b:s3+s2], $0x80, v4, vm0, $0xb8;
	[tilespmem:$0xC100] =	vst v63  }
0x101: {  	_ = 	snop  }
0x102: {  	[tilespmem:s13], [sflag:$0x2] =	stream.indirect_vreg.gather [hbm4b:s5+s2], $0x80, v4, vm1, $0xb8;
	[tilespmem:$0xC100] =	vst v63  }
0x103: {  	_ = 	snop  }
0x104: {  	[tilespmem:s14], [sflag:$0x2] =	stream.indirect_vreg.gather [hbm4b:s3+s2], $0x80, v3, vm0, $0xb8;
	[tilespmem:$0xC100] =	vst v63  }
0x105: {  	s17 =	simm.s32 $0x8D00  }
0x106: {  	[tilespmem:s17], [sflag:$0x2] =	stream.indirect_vreg.gather [hbm4b:s5+s2], $0x80, v3, vm1, $0xb8;
	[tilespmem:$0xC100] =	vst v63  }
0x107: {  	v3 =	vld [tilespmem:$0xE0];
	_ =	sdelay $0x4  }
0x108: {  	v62 =	vshrl.u32 v3, $0x3  }
0x109: {  	v4 =	vmul.u32 $0x18, v62  }
0x10a: {  	v3 =	vand.u32 $0x7, v3  }
0x10b: {  	v3 =	vor.u32 v3, v4  }
0x10c: {  	v4 =	vperm.xlane v3, v0;
	_ =	sdelay $0x1  }
0x10d: {  	v4 =	vadd.s32 v1, v4;
	_ =	sdelay $0x1  }
0x10e: {  	v3 =	vperm.xlane v3, v2;
	_ =	sdelay $0x1  }
0x10f: {  	s17 =	simm.s32 $0x9100;
	v3 =	vadd.s32 v1, v3  }
0x110: {  	[tilespmem:s17], [sflag:$0x2] =	stream.indirect_vreg.gather [hbm4b:s3+s2], $0x80, v4, vm0, $0xb8;
	[tilespmem:$0xC100] =	vst v63  }
0x111: {  	s17 =	simm.s32 $0x9900  }
0x112: {  	[tilespmem:s17], [sflag:$0x2] =	stream.indirect_vreg.gather [hbm4b:s5+s2], $0x80, v4, vm1, $0xb8;
	[tilespmem:$0xC100] =	vst v63  }
0x113: {  	s17 =	simm.s32 $0x9D00  }
0x114: {  	[tilespmem:s17], [sflag:$0x2] =	stream.indirect_vreg.gather [hbm4b:s3+s2], $0x80, v3, vm0, $0xb8;
	[tilespmem:$0xC100] =	vst v63  }
0x115: {  	s17 =	simm.s32 $0xA500  }
0x116: {  	[tilespmem:s17], [sflag:$0x2] =	stream.indirect_vreg.gather [hbm4b:s5+s2], $0x80, v3, vm1, $0xb8;
	[tilespmem:$0xC100] =	vst v63  }
0x117: {  	v3 =	vld [tilespmem:$0xF0];
	_ =	sdelay $0x4  }
0x118: {  	v63 =	vshrl.u32 v3, $0x3  }
0x119: {  	v4 =	vmul.u32 $0x18, v63  }
0x11a: {  	v3 =	vand.u32 $0x7, v3  }
0x11b: {  	v3 =	vor.u32 v3, v4  }
0x11c: {  	v4 =	vperm.xlane v3, v0;
	_ =	sdelay $0x1  }
0x11d: {  	v4 =	vadd.s32 v1, v4;
	_ =	sdelay $0x1  }
0x11e: {  	v3 =	vperm.xlane v3, v2;
	_ =	sdelay $0x1  }
0x11f: {  	s17 =	simm.s32 $0xA900;
	v3 =	vadd.s32 v1, v3  }
0x120: {  	[tilespmem:s17], [sflag:$0x2] =	stream.indirect_vreg.gather [hbm4b:s3+s2], $0x80, v4, vm0, $0xb8;
	[tilespmem:$0xC100] =	vst v63  }
0x121: {  	s17 =	simm.s32 $0xB100  }
0x122: {  	[tilespmem:s17], [sflag:$0x2] =	stream.indirect_vreg.gather [hbm4b:s5+s2], $0x80, v4, vm1, $0xb8;
	[tilespmem:$0xC100] =	vst v63  }
0x123: {  	s17 =	simm.s32 $0xB500  }
0x124: {  	[tilespmem:s17], [sflag:$0x2] =	stream.indirect_vreg.gather [hbm4b:s3+s2], $0x80, v3, vm0, $0xb8;
	[tilespmem:$0xC100] =	vst v63  }
0x125: {  	s17 =	simm.s32 $0xBD00  }
0x126: {  	[tilespmem:s17], [sflag:$0x2] =	stream.indirect_vreg.gather [hbm4b:s5+s2], $0x80, v3, vm1, $0xb8;
	[tilespmem:$0xC100] =	vst v63  }
0x127: {  	_ =	swait.ge [sflag:s8], $0x6000  }
0x128: {  	[sflag:s8] =	ssyncset.done $0x0  }
0x129: {  	s24 =	simm.s32 $0x100;
	s0 =	rddreg [dreg:$0x5];
	[sflag:s8] =	ssyncadd.s32 $0xFFFFA000  }
0x12a: {  	[hbm4b:s0+s2] =	stream.linear.scatter [tilespmem:s24], [sflag:$0x3], $0x6000, $0x38;
	[tilespmem:$0xC100] =	vst v63  }
0x12b: {  	_ =	swait.ge [sflag:s7], $0x6000  }
0x12c: {  	[sflag:s7] =	ssyncset.done $0x0  }
0x12d: {  	[sflag:s7] =	ssyncadd.s32 $0xFFFFA000  }
0x12e: {  	_ =	swait.ge [sflag:s16], $0x6000  }
0x12f: {  	p0 =	sne.s32 s6, $0x1;
	[sflag:s16] =	ssyncset.done $0x0  }
.Ltmp0:
0x130: {  	s24 =	rddreg [dreg:$0x6];
	[sflag:s16] =	ssyncadd.s32 $0xFFFFA000;
	(pc) =	sbr.rel @p0 .LBB2_1-.Ltmp0, $4  }
0x131: {  	[hbm4b:s24+s2] =	stream.linear.scatter [tilespmem:s15], [sflag:$0x3], $0x6000, $0x38;
	[tilespmem:$0xC100] =	vst v63  }
0x132: {  	_ =	swait.ge [sflag:s7], $0x6000  }
0x133: {  	[sflag:s7] =	ssyncset.done $0x0  }
0x134: {  	s6 =	sadd.s32 $0xFFFFFFFF, s6;
	[sflag:s7] =	ssyncadd.s32 $0xFFFFA000  }
0x135: {  	_ =	sfence.sel $0x180000  }
0x136: {  	[bflag:$0x0] =	sbarrier.arrive $0xFFFF  }
0x137: {  	_ =	strace $0x90000047  }
0x138: {  	s0 =	stileid.u32;
	[bflag:$0x2] =	sbarrier.arrive $0xFFFF  }
0x139: {  	p0 =	sne.s32 s0, $0x0;
	s0 =	rddreg [dreg:$0x2]  }
0x13a: {  	s0 =	sadd.s32 @!p0 $0x100000, s0  }
0x13b: {  	[sflag:s0] =	ssyncadd.tile.s32 @!p0 $0x1;
	_ =	shalt  }
.Lfunc_end2:
_tile_overlayer_lowered:
.L_overlay_start_2:
0x13c: {  	(tag) =	ssettag $0x2  }
0x13d: {  	s0 =	rddreg [dreg:$0x0];
	s2 =	stileid.u32  }
0x13e: {  	s1 =	rddreg [dreg:$0x1];
	p0 =	sne.s32 s2, $0x0  }
0x13f: {  	s3 =	rddreg [dreg:$0x2];
	[bflag:$0x3] =	sbarrier.arrive $0xFFFF;
	s2 =	simm.s32 @!p0 $0x1C03  }
0x140: {  	[timem:s3], [sflag:s2] =	dma.local @!p0 [hbm:s0], s1  }
0x141: {  	s0 =	simm.s32 @!p0 $0x3  }
0x142: {  	_ =	swait.ge @!p0 [sflag:s0], s1  }
0x143: {  	s1 =	ssub.s32 @!p0 $0x0, s1;
	[sflag:s0] =	ssyncset.done @!p0 $0x0  }
0x144: {  	[sflag:s0] =	ssyncadd.s32 @!p0 s1  }
0x145: {  	[bflag:$0x3] =	sbarrier.arrive $0xFFFF  }
0x146: {  	_ =	shalt  }

</sc_bundles>
